<compile_context>
chip_gen: v7x
topology: tpu7x:2x2x1
jax: 0.10.2.dev20260603
libtpu: 0.0.44.dev20260713+nightly
codegen_flags: <defaults>
</compile_context>

<pallas_src>
import functools

import numpy as np
import jax
import jax.numpy as jnp
from jax import lax
from jax.experimental import pallas as pl
from jax.experimental.pallas import tpu as pltpu
from jax.experimental.pallas import tpu_sc as plsc

N_VOCAB = 1000000
D = 64
SEQ = 200
BATCH = 1024
NTOK = BATCH * SEQ

NC = 2
NS = 16
NW = NC * NS
TOK_PER_W = NTOK // NW
CHUNK = 128
NCHUNK = TOK_PER_W // CHUNK

_EPS = 1e-6
_SCALE = float(D) ** 0.5

TC_ROWS = 1600
TC_GRID = NTOK // TC_ROWS


def _pos_np() -> np.ndarray:
    pos = np.arange(SEQ, dtype=np.float64)[:, None]
    j = np.arange(D, dtype=np.float64)[None, :]
    angle = pos / np.power(10000.0, 2.0 * (np.floor(j / 2.0)) / D)
    table = angle.copy()
    table[:, 0::2] = np.sin(angle[:, 0::2])
    table[:, 1::2] = np.cos(angle[:, 1::2])
    return table.astype(np.float32)


_POS_TILED = np.tile(_pos_np(), (TC_ROWS // SEQ, 1))


def _sc_body(src_hbm, emb_hbm, out_hbm, idx_v, rows0, rows1, gs0, gs1):
    wid = lax.axis_index("s") * NC + lax.axis_index("c")
    tok0 = wid * TOK_PER_W

    pltpu.sync_copy(src_hbm.at[pl.ds(tok0, TOK_PER_W)], idx_v)

    rows = (rows0, rows1)
    gs = (gs0, gs1)

    def gather(c, b):
        return pltpu.make_async_copy(
            emb_hbm.at[idx_v.at[pl.ds(c * CHUNK, CHUNK)]], rows[b], gs[b]
        )

    gather(0, 0).start()

    def chunk_body(c2, _):
        for b in (0, 1):
            c = c2 * 2 + b
            nb = 1 - b

            @pl.when(c + 1 < NCHUNK)
            def _():
                gather(c + 1, nb).start()

            gather(c, b).wait()
            pltpu.sync_copy(rows[b], out_hbm.at[pl.ds(tok0 + c * CHUNK, CHUNK)])
        return 0

    lax.fori_loop(0, NCHUNK // 2, chunk_body, 0)


@jax.jit
def _sc_gather(src_flat, emb_table):
    mesh = plsc.VectorSubcoreMesh(core_axis_name="c", subcore_axis_name="s")
    k = functools.partial(
        pl.kernel,
        mesh=mesh,
        out_type=jax.ShapeDtypeStruct((NTOK, D), jnp.float32),
        compiler_params=pltpu.CompilerParams(
            needs_layout_passes=False, use_tc_tiling_on_sc=False
        ),
        scratch_types=[
            pltpu.VMEM((TOK_PER_W,), jnp.int32),
            pltpu.VMEM((CHUNK, D), jnp.float32),
            pltpu.VMEM((CHUNK, D), jnp.float32),
            pltpu.SemaphoreType.DMA,
            pltpu.SemaphoreType.DMA,
        ],
    )(_sc_body)
    return k(src_flat, emb_table)


def _tc_body(x_ref, pos_ref, w_ref, b_ref, o_ref):
    e = x_ref[...] * _SCALE + pos_ref[...]
    mean = jnp.mean(e, axis=1, keepdims=True)
    var = jnp.mean(e * e, axis=1, keepdims=True) - mean * mean
    o = (e - mean) * lax.rsqrt(var + _EPS) * w_ref[...] + b_ref[...]
    o_ref[...] = o


@jax.jit
def _tc_ln(x, pos_tiled, w, b):
    return pl.pallas_call(
        _tc_body,
        out_shape=jax.ShapeDtypeStruct((NTOK, D), jnp.float32),
        grid=(TC_GRID,),
        in_specs=[
            pl.BlockSpec((TC_ROWS, D), lambda i: (i, 0)),
            pl.BlockSpec((TC_ROWS, D), lambda i: (0, 0)),
            pl.BlockSpec((1, D), lambda i: (0, 0)),
            pl.BlockSpec((1, D), lambda i: (0, 0)),
        ],
        out_specs=pl.BlockSpec((TC_ROWS, D), lambda i: (i, 0)),
    )(x, pos_tiled, w, b)


def kernel(src_seq, emb_table, ln_weight, ln_bias):
    src_flat = src_seq.reshape(-1).astype(jnp.int32)
    gathered = _sc_gather(src_flat, emb_table)
    out = _tc_ln(
        gathered,
        jnp.asarray(_POS_TILED),
        ln_weight.reshape(1, D),
        ln_bias.reshape(1, D),
    )
    return out.reshape(BATCH, SEQ, D)

# --- scband reference (transcript-rebuilt; emitter-appended) ---
"""Pipeline reference for scband-vocab-encoder-71305047049022 (READ-ONLY COPY).

The authoritative reference and input builder live on the scoring server;
editing this copy changes nothing except your own understanding.
"""

import jax, jax.numpy as jnp
import numpy as np

N_VOCAB = 1000000
D = 64
INP_LEN = 200
N_POSITION = INP_LEN * 10
BATCH = 1024


def _sinusoid_table(n_position, d_hid):
    pos = np.arange(n_position, dtype=np.float64)[:, None]
    j = np.arange(d_hid, dtype=np.float64)[None, :]
    angle = pos / np.power(10000.0, 2.0 * (np.floor(j / 2.0)) / d_hid)
    table = angle.copy()
    table[:, 0::2] = np.sin(angle[:, 0::2])
    table[:, 1::2] = np.cos(angle[:, 1::2])
    return jnp.asarray(table, dtype=jnp.float32)


def setup_inputs(seed: int = 0) -> dict:
    key = jax.random.key(seed)
    k1, k2 = jax.random.split(key)
    src_seq = jax.random.randint(k1, (BATCH, INP_LEN), 0, N_VOCAB, dtype=jnp.int64 if jax.config.jax_enable_x64 else jnp.int32)
    emb_table = jax.random.normal(k2, (N_VOCAB, D), dtype=jnp.float32) * 0.02
    emb_table = emb_table.at[0].set(0.0)  # padding_idx=0 row is zero
    ln_weight = jnp.ones((D,), dtype=jnp.float32)
    ln_bias = jnp.zeros((D,), dtype=jnp.float32)
    return {"src_seq": src_seq, "emb_table": emb_table, "ln_weight": ln_weight, "ln_bias": ln_bias}


def reference(src_seq, emb_table, ln_weight, ln_bias):
    # nn.Embedding lookup
    enc = jnp.take(emb_table, src_seq, axis=0)  # [B, L, D]
    # scale by sqrt(d_model)
    enc = enc * (D ** 0.5)
    # PositionalEncoding (PosEncType.Num): add sinusoid table slice
    pos_table = _sinusoid_table(N_POSITION, D)  # [N_POSITION, D]
    enc = enc + pos_table[: src_seq.shape[1]][None, :, :]
    # dropout with p=0.0 (eval) -> identity
    # LayerNorm over last dim, eps=1e-6
    mean = jnp.mean(enc, axis=-1, keepdims=True)
    var = jnp.mean((enc - mean) ** 2, axis=-1, keepdims=True)
    out = (enc - mean) / jnp.sqrt(var + 1e-6) * ln_weight + ln_bias
    return out

if __name__ == "__main__":
    import jax
    _d = setup_inputs()
    print(jax.jit(kernel)(*tuple(_d.values())))

</pallas_src>

<mosaic_0001>
#map = affine_map<(d0, d1) -> (0)>
#map1 = affine_map<(d0, d1) -> (0, 0)>
module attributes {stable_mosaic.version = 14 : i64} {
  func.func @_sc_body(%arg0: i32, %arg1: i32, %arg2: memref<204800xi32, #tpu.memory_space<hbm>>, %arg3: memref<1000000x64xf32, #tpu.memory_space<hbm>>, %arg4: memref<204800x64xf32, #tpu.memory_space<hbm>>, %arg5: memref<6400xi32, #tpu.memory_space<vmem>>, %arg6: memref<128x64xf32, #tpu.memory_space<vmem>>, %arg7: memref<128x64xf32, #tpu.memory_space<vmem>>, %arg8: memref<!tpu.dma_semaphore, #tpu.memory_space<semaphore_mem>>, %arg9: memref<!tpu.dma_semaphore, #tpu.memory_space<semaphore_mem>>) attributes {dimension_semantics = [#tpu.dimension_semantics<core_parallel>, #tpu.dimension_semantics<subcore_parallel>], iteration_bounds = array<i64: 2, 16>, scalar_prefetch = 0 : i64, scratch_operands = 5 : i64, tpu.core_type = #tpu.core_type<sc_vector_subcore>, window_params = [{transform_indices = #map}, {transform_indices = #map1}, {transform_indices = #map1}]} {
    %mul3A = arith.constant 2 : i32
    %mul3A_0 = arith.muli %arg1, %mul3A : i32
    %add3A = arith.addi %mul3A_0, %arg0 : i32
    %mul3A_1 = arith.constant 6400 : i32
    %mul3A_2 = arith.muli %add3A, %mul3A_1 : i32
    "tpu.region"() ({
      %run_scoped3A = tpu.sem_alloc : memref<!tpu.dma_semaphore, #tpu.memory_space<semaphore_mem>>
      %dma_start3A_13 = tpu.memref_slice %arg2[%mul3A_2] : memref<204800xi32, #tpu.memory_space<hbm>> -> memref<6400xi32, #tpu.memory_space<hbm>>
      %dma_start3A_14 = tpu.memref_slice %arg2[%mul3A_2] : memref<204800xi32, #tpu.memory_space<hbm>> -> memref<6400xi32, #tpu.memory_space<hbm>>
      tpu.enqueue_dma source(%dma_start3A_14 : memref<6400xi32, #tpu.memory_space<hbm>>) target(%arg5 : memref<6400xi32, #tpu.memory_space<vmem>>) target_semaphore(%run_scoped3A : memref<!tpu.dma_semaphore, #tpu.memory_space<semaphore_mem>>)
      %dma_wait3A = tpu.memref_slice %arg2[%mul3A_2] : memref<204800xi32, #tpu.memory_space<hbm>> -> memref<6400xi32, #tpu.memory_space<hbm>>
      %dma_wait3A_15 = tpu.memref_slice %arg2[%mul3A_2] : memref<204800xi32, #tpu.memory_space<hbm>> -> memref<6400xi32, #tpu.memory_space<hbm>>
      tpu.wait_dma2 semaphore(%run_scoped3A : memref<!tpu.dma_semaphore, #tpu.memory_space<semaphore_mem>>) src(%dma_wait3A_15 : memref<6400xi32, #tpu.memory_space<hbm>>) dst(%arg5 : memref<6400xi32, #tpu.memory_space<vmem>>)
      tpu.yield
    }) : () -> ()
    %dma_start3A = arith.constant 0 : i32
    %dma_start3A_3 = tpu.memref_slice %arg5[%dma_start3A] : memref<6400xi32, #tpu.memory_space<vmem>> -> memref<128xi32, #tpu.memory_space<vmem>>
    %dma_start3A_4 = arith.constant 0 : i32
    %dma_start3A_5 = arith.constant 0 : i32
    %dma_start3A_6 = tpu.memref_slice %arg3[%dma_start3A_4, %dma_start3A_5] : memref<1000000x64xf32, #tpu.memory_space<hbm>> -> memref<1000000x64xf32, #tpu.memory_space<hbm>>
    tpu.enqueue_indirect_dma source(%dma_start3A_6 : memref<1000000x64xf32, #tpu.memory_space<hbm>>) target(%arg6 : memref<128x64xf32, #tpu.memory_space<vmem>>) offsets(%dma_start3A_3 : memref<128xi32, #tpu.memory_space<vmem>>) semaphore(%arg8 : memref<!tpu.dma_semaphore, #tpu.memory_space<semaphore_mem>>)
    %scan3A = arith.constant 0 : i32
    %scan3A_7 = arith.constant 0 : i32
    %scan3A_8 = arith.constant 25 : i32
    %scan3A_9 = arith.addi %scan3A_7, %scan3A_8 : i32
    %scan3A_10 = arith.constant 1 : i32
    %scan3A_11 = scf.for %scan3A_13 = %scan3A_7 to %scan3A_9 step %scan3A_10 iter_args(%scan3A_14 = %scan3A) -> (i32)  : i32 {
      %mul3A_15 = arith.constant 2 : i32
      %mul3A_16 = arith.muli %scan3A_13, %mul3A_15 : i32
      %add3A_17 = arith.constant 0 : i32
      %add3A_18 = arith.addi %mul3A_16, %add3A_17 : i32
      %add3A_19 = arith.constant 1 : i32
      %add3A_20 = arith.addi %add3A_18, %add3A_19 : i32
      %lt3A = arith.constant 50 : i32
      %lt3A_21 = arith.cmpi slt, %add3A_20, %lt3A : i32
      %convert_element_type3A = arith.extui %lt3A_21 : i1 to i32
      %cond3A = arith.constant 0 : i32
      %cond3A_22 = arith.cmpi ne, %convert_element_type3A, %cond3A : i32
      scf.if %cond3A_22 {
        %add3A_52 = arith.constant 1 : i32
        %add3A_53 = arith.addi %add3A_18, %add3A_52 : i32
        %mul3A_54 = arith.constant 128 : i32
        %mul3A_55 = arith.muli %add3A_53, %mul3A_54 : i32
        %dma_start3A_56 = tpu.memref_slice %arg5[%mul3A_55] : memref<6400xi32, #tpu.memory_space<vmem>> -> memref<128xi32, #tpu.memory_space<vmem>>
        %dma_start3A_57 = arith.constant 0 : i32
        %dma_start3A_58 = arith.constant 0 : i32
        %dma_start3A_59 = tpu.memref_slice %arg3[%dma_start3A_57, %dma_start3A_58] : memref<1000000x64xf32, #tpu.memory_space<hbm>> -> memref<1000000x64xf32, #tpu.memory_space<hbm>>
        tpu.enqueue_indirect_dma source(%dma_start3A_59 : memref<1000000x64xf32, #tpu.memory_space<hbm>>) target(%arg7 : memref<128x64xf32, #tpu.memory_space<vmem>>) offsets(%dma_start3A_56 : memref<128xi32, #tpu.memory_space<vmem>>) semaphore(%arg9 : memref<!tpu.dma_semaphore, #tpu.memory_space<semaphore_mem>>)
      } else {
      }
      %mul3A_23 = arith.constant 128 : i32
      %mul3A_24 = arith.muli %add3A_18, %mul3A_23 : i32
      %dma_wait3A = tpu.memref_slice %arg5[%mul3A_24] : memref<6400xi32, #tpu.memory_space<vmem>> -> memref<128xi32, #tpu.memory_space<vmem>>
      %dma_wait3A_25 = arith.constant 0 : i32
      %dma_wait3A_26 = arith.constant 0 : i32
      %dma_wait3A_27 = tpu.memref_slice %arg3[%dma_wait3A_25, %dma_wait3A_26] : memref<1000000x64xf32, #tpu.memory_space<hbm>> -> memref<1000000x64xf32, #tpu.memory_space<hbm>>
      tpu.wait_indirect_dma semaphore(%arg8 : memref<!tpu.dma_semaphore, #tpu.memory_space<semaphore_mem>>) src(%dma_wait3A_27 : memref<1000000x64xf32, #tpu.memory_space<hbm>>) dst(%arg6 : memref<128x64xf32, #tpu.memory_space<vmem>>)
      %mul3A_28 = arith.constant 128 : i32
      %mul3A_29 = arith.muli %add3A_18, %mul3A_28 : i32
      %add3A_30 = arith.addi %mul3A_2, %mul3A_29 : i32
      "tpu.region"() ({
        %run_scoped3A = tpu.sem_alloc : memref<!tpu.dma_semaphore, #tpu.memory_space<semaphore_mem>>
        %dma_start3A_52 = arith.constant 0 : i32
        %dma_start3A_53 = tpu.memref_slice %arg4[%add3A_30, %dma_start3A_52] : memref<204800x64xf32, #tpu.memory_space<hbm>> -> memref<128x64xf32, #tpu.memory_space<hbm>>
        %dma_start3A_54 = arith.constant 0 : i32
        %dma_start3A_55 = tpu.memref_slice %arg4[%add3A_30, %dma_start3A_54] : memref<204800x64xf32, #tpu.memory_space<hbm>> -> memref<128x64xf32, #tpu.memory_space<hbm>>
        tpu.enqueue_dma source(%arg6 : memref<128x64xf32, #tpu.memory_space<vmem>>) target(%dma_start3A_55 : memref<128x64xf32, #tpu.memory_space<hbm>>) target_semaphore(%run_scoped3A : memref<!tpu.dma_semaphore, #tpu.memory_space<semaphore_mem>>)
        %dma_wait3A_56 = arith.constant 0 : i32
        %dma_wait3A_57 = tpu.memref_slice %arg4[%add3A_30, %dma_wait3A_56] : memref<204800x64xf32, #tpu.memory_space<hbm>> -> memref<128x64xf32, #tpu.memory_space<hbm>>
        %dma_wait3A_58 = arith.constant 0 : i32
        %dma_wait3A_59 = tpu.memref_slice %arg4[%add3A_30, %dma_wait3A_58] : memref<204800x64xf32, #tpu.memory_space<hbm>> -> memref<128x64xf32, #tpu.memory_space<hbm>>
        tpu.wait_dma2 semaphore(%run_scoped3A : memref<!tpu.dma_semaphore, #tpu.memory_space<semaphore_mem>>) src(%arg6 : memref<128x64xf32, #tpu.memory_space<vmem>>) dst(%dma_wait3A_59 : memref<128x64xf32, #tpu.memory_space<hbm>>)
        tpu.yield
      }) : () -> ()
      %mul3A_31 = arith.constant 2 : i32
      %mul3A_32 = arith.muli %scan3A_13, %mul3A_31 : i32
      %add3A_33 = arith.constant 1 : i32
      %add3A_34 = arith.addi %mul3A_32, %add3A_33 : i32
      %add3A_35 = arith.constant 1 : i32
      %add3A_36 = arith.addi %add3A_34, %add3A_35 : i32
      %lt3A_37 = arith.constant 50 : i32
      %lt3A_38 = arith.cmpi slt, %add3A_36, %lt3A_37 : i32
      %convert_element_type3A_39 = arith.extui %lt3A_38 : i1 to i32
      %cond3A_40 = arith.constant 0 : i32
      %cond3A_41 = arith.cmpi ne, %convert_element_type3A_39, %cond3A_40 : i32
      scf.if %cond3A_41 {
        %add3A_52 = arith.constant 1 : i32
        %add3A_53 = arith.addi %add3A_34, %add3A_52 : i32
        %mul3A_54 = arith.constant 128 : i32
        %mul3A_55 = arith.muli %add3A_53, %mul3A_54 : i32
        %dma_start3A_56 = tpu.memref_slice %arg5[%mul3A_55] : memref<6400xi32, #tpu.memory_space<vmem>> -> memref<128xi32, #tpu.memory_space<vmem>>
        %dma_start3A_57 = arith.constant 0 : i32
        %dma_start3A_58 = arith.constant 0 : i32
        %dma_start3A_59 = tpu.memref_slice %arg3[%dma_start3A_57, %dma_start3A_58] : memref<1000000x64xf32, #tpu.memory_space<hbm>> -> memref<1000000x64xf32, #tpu.memory_space<hbm>>
        tpu.enqueue_indirect_dma source(%dma_start3A_59 : memref<1000000x64xf32, #tpu.memory_space<hbm>>) target(%arg6 : memref<128x64xf32, #tpu.memory_space<vmem>>) offsets(%dma_start3A_56 : memref<128xi32, #tpu.memory_space<vmem>>) semaphore(%arg8 : memref<!tpu.dma_semaphore, #tpu.memory_space<semaphore_mem>>)
      } else {
      }
      %mul3A_42 = arith.constant 128 : i32
      %mul3A_43 = arith.muli %add3A_34, %mul3A_42 : i32
      %dma_wait3A_44 = tpu.memref_slice %arg5[%mul3A_43] : memref<6400xi32, #tpu.memory_space<vmem>> -> memref<128xi32, #tpu.memory_space<vmem>>
      %dma_wait3A_45 = arith.constant 0 : i32
      %dma_wait3A_46 = arith.constant 0 : i32
      %dma_wait3A_47 = tpu.memref_slice %arg3[%dma_wait3A_45, %dma_wait3A_46] : memref<1000000x64xf32, #tpu.memory_space<hbm>> -> memref<1000000x64xf32, #tpu.memory_space<hbm>>
      tpu.wait_indirect_dma semaphore(%arg9 : memref<!tpu.dma_semaphore, #tpu.memory_space<semaphore_mem>>) src(%dma_wait3A_47 : memref<1000000x64xf32, #tpu.memory_space<hbm>>) dst(%arg7 : memref<128x64xf32, #tpu.memory_space<vmem>>)
      %mul3A_48 = arith.constant 128 : i32
      %mul3A_49 = arith.muli %add3A_34, %mul3A_48 : i32
      %add3A_50 = arith.addi %mul3A_2, %mul3A_49 : i32
      "tpu.region"() ({
        %run_scoped3A = tpu.sem_alloc : memref<!tpu.dma_semaphore, #tpu.memory_space<semaphore_mem>>
        %dma_start3A_52 = arith.constant 0 : i32
        %dma_start3A_53 = tpu.memref_slice %arg4[%add3A_50, %dma_start3A_52] : memref<204800x64xf32, #tpu.memory_space<hbm>> -> memref<128x64xf32, #tpu.memory_space<hbm>>
        %dma_start3A_54 = arith.constant 0 : i32
        %dma_start3A_55 = tpu.memref_slice %arg4[%add3A_50, %dma_start3A_54] : memref<204800x64xf32, #tpu.memory_space<hbm>> -> memref<128x64xf32, #tpu.memory_space<hbm>>
        tpu.enqueue_dma source(%arg7 : memref<128x64xf32, #tpu.memory_space<vmem>>) target(%dma_start3A_55 : memref<128x64xf32, #tpu.memory_space<hbm>>) target_semaphore(%run_scoped3A : memref<!tpu.dma_semaphore, #tpu.memory_space<semaphore_mem>>)
        %dma_wait3A_56 = arith.constant 0 : i32
        %dma_wait3A_57 = tpu.memref_slice %arg4[%add3A_50, %dma_wait3A_56] : memref<204800x64xf32, #tpu.memory_space<hbm>> -> memref<128x64xf32, #tpu.memory_space<hbm>>
        %dma_wait3A_58 = arith.constant 0 : i32
        %dma_wait3A_59 = tpu.memref_slice %arg4[%add3A_50, %dma_wait3A_58] : memref<204800x64xf32, #tpu.memory_space<hbm>> -> memref<128x64xf32, #tpu.memory_space<hbm>>
        tpu.wait_dma2 semaphore(%run_scoped3A : memref<!tpu.dma_semaphore, #tpu.memory_space<semaphore_mem>>) src(%arg7 : memref<128x64xf32, #tpu.memory_space<vmem>>) dst(%dma_wait3A_59 : memref<128x64xf32, #tpu.memory_space<hbm>>)
        tpu.yield
      }) : () -> ()
      %scan3A_51 = arith.constant 0 : i32
      scf.yield %scan3A_51 : i32
    }
    %scan3A_12 = arith.constant 25 : i32
    return
  }
}

</mosaic_0001>

<sc_bundles>
// kernel: _sc_gather.3.cloned.1.call-start
scs
__scs_entry_jumppad:
0x0: {  	(pc) =	sbr.rel $0x88, $3  }
0x1: {  	(tag) =	ssettag $0x0;
	lr =	simm.s32 $0x1  }
0x2: {  	[smem:$0x3F9F] =	sst lr;
	_ =	strace $0xD0000000  }
0x3: {  	_ = 	snop  }
0x4: {  	_ = 	snop  }
0x5: {  	_ = 	snop  }
0x6: {  	_ = 	snop  }
0x7: {  	_ = 	snop  }
__scs_overlays_trampoline_lowered:
0x8: {  	[smem:$0x3FAE] =	sst s0  }
0x9: {  	[smem:$0x3FAF] =	sst s1  }
0xa: {  	[smem:$0x3FB0] =	sst s2  }
0xb: {  	[smem:$0x3FB1] =	sst s3  }
0xc: {  	[smem:$0x3FB2] =	sst s4  }
0xd: {  	[smem:$0x3FB3] =	sst s5  }
0xe: {  	[smem:$0x3FB4] =	sst s6  }
0xf: {  	[smem:$0x3FB5] =	sst s7  }
0x10: {  	[smem:$0x3FB6] =	sst s8  }
0x11: {  	[smem:$0x3FB7] =	sst s9;
	s0 =	simm.s32 @!p0 $0x0  }
0x12: {  	s1 =	sld [smem:$0x3F9D];
	s0 =	simm.s32 @p0 $0x1  }
0x13: {  	[smem:$0x3FB8] =	sst s0;
	s0 =	simm.s32 @!p1 $0x0  }
0x14: {  	s2 =	sld [smem:$0x3F9C];
	s0 =	simm.s32 @p1 $0x1  }
0x15: {  	[smem:$0x3FB9] =	sst s0;
	s0 =	simm.s32 @!p2 $0x0  }
0x16: {  	s3 =	sld [smem:$0x3FDB];
	s0 =	simm.s32 @p2 $0x1  }
0x17: {  	s4 =	simm.s32 $0x1BF5;
	[smem:$0x3FBB] =	sst s0  }
0x18: {  	s0 =	sld [smem:$0x3F9E];
	_ =	swait.ge [sflag:s4], $0x0  }
0x19: {  	s7 =	sld [smem:$0x3F9F]  }
0x1a: {  	s8 =	sadd.s32 $0xFFFFE003, lr  }
0x1b: {  	s9 =	sadd.s32 $0xFFFFFEF7, lr;
	s5 =	simm.s32 $0xFFFFFFFF;
	p2 =	slt.u32 s8, $0xFFFFF086  }
0x1c: {  	p1 =	slt.u32 s9, $0xF7A;
	s5 =	simm.s32 @!p2 $0x0  }
0x1d: {  	s5 =	simm.s32 @p1 $0x1;
	p0 =	seq.s32 s7, s2  }
0x1e: {  	s7 =	smul.u32 @!p0 $0xF7A, s2;
	p2 =	seq.s32 @!p0 s5, $0x0  }
0x1f: {  	s9 =	smul.u32 $0xF7A, s1;
	s8 =	simm.s32 @!p0 $0x1BF5;
	p2 =	por !p2, p0  }
0x20: {  	[sflag:s8] =	ssyncset.s32 @!p0 $0xFFFFF086;
	s6 =	sadd.s32 @!p0 s3, s7;
	s7 =	simm.s32 @!p0 $0x108  }
0x21: {  	s3 =	sadd.s32 s3, s9;
	s6 =	sadd.s32 @!p0 $0x88, s6;
	s7 =	simm.s32 @p2 $0x1082  }
0x22: {  	[simem:s7], [sflag:s8] =	dma.local @!p0 [hbm:s6], $0xF7A  }
0x23: {  	s9 =	sor.u32 $0xD0000000, s2;
	s6 =	simm.s32 $0x108;
	_ =	swait.ge @!p0 [sflag:s8], $0x0  }
0x24: {  	s3 =	sadd.s32 $0x88, s3;
	s6 =	simm.s32 @!p1 $0x1082;
	[sflag:s4] =	ssyncset.s32 $0xFFFFF086  }
0x25: {  	[simem:s6], [sflag:s4] =	dma.local [hbm:s3], $0xF7A  }
0x26: {  	[smem:$0x3F9F] =	sst s1;
	(tag) =	ssettag s2;
	_ =	strace s9  }
0x27: {  	s1 =	sld [smem:$0x3FAF]  }
0x28: {  	s2 =	sld [smem:$0x3FB0]  }
0x29: {  	s4 =	sld [smem:$0x3FB2]  }
0x2a: {  	p0 =	seq.s32 s5, $0x0;
	s5 =	sld [smem:$0x3FB3]  }
0x2b: {  	s6 =	sld [smem:$0x3FB4]  }
0x2c: {  	s7 =	sld [smem:$0x3FB5]  }
0x2d: {  	s3 =	simm.s32 $0x108;
	s8 =	sld [smem:$0x3FB6]  }
0x2e: {  	s3 =	simm.s32 @!p0 $0x1082;
	s9 =	sld [smem:$0x3FB7]  }
0x2f: {  	lr =	sadd.s32 s0, s3;
	s0 =	sld [smem:$0x3FAE]  }
0x30: {  	s3 =	sld [smem:$0x3FB1]  }
0x31: {  	[smem:$0x3FBA] =	sst s10  }
0x32: {  	s10 =	sld [smem:$0x3FB8];
	_ =	sdelay $0x3  }
0x33: {  	p0 =	seq.s32 s10, $0x1;
	s10 =	sld [smem:$0x3FBA];
	_ =	sdelay $0x3  }
0x34: {  	[smem:$0x3FBA] =	sst s10  }
0x35: {  	s10 =	sld [smem:$0x3FB9];
	_ =	sdelay $0x3  }
0x36: {  	p1 =	seq.s32 s10, $0x1;
	s10 =	sld [smem:$0x3FBA];
	_ =	sdelay $0x3  }
0x37: {  	[smem:$0x3FBA] =	sst s10  }
0x38: {  	s10 =	sld [smem:$0x3FBB]  }
0x39: {  	_ = 	snop;
	(pc) =	sbr.ind lr, $3  }
0x3a: {  	_ = 	snop  }
0x3b: {  	_ = 	snop  }
0x3c: {  	p2 =	seq.s32 s10, $0x1;
	s10 =	sld [smem:$0x3FBA]  }
0x3d: {  	_ =	shalt  }
0x3e: {  	_ =	shalt  }
0x3f: {  	_ =	shalt  }
0x40: {  	_ =	shalt  }
0x41: {  	_ =	shalt  }
0x42: {  	_ =	shalt  }
0x43: {  	_ =	shalt  }
0x44: {  	_ =	shalt  }
0x45: {  	_ =	shalt  }
0x46: {  	_ =	shalt  }
0x47: {  	_ =	shalt  }
0x48: {  	_ =	shalt  }
0x49: {  	_ =	shalt  }
0x4a: {  	_ =	shalt  }
0x4b: {  	_ =	shalt  }
0x4c: {  	_ =	shalt  }
0x4d: {  	_ =	shalt  }
0x4e: {  	_ =	shalt  }
0x4f: {  	_ =	shalt  }
0x50: {  	_ =	shalt  }
0x51: {  	_ =	shalt  }
0x52: {  	_ =	shalt  }
0x53: {  	_ =	shalt  }
0x54: {  	_ =	shalt  }
0x55: {  	_ =	shalt  }
0x56: {  	_ =	shalt  }
0x57: {  	_ =	shalt  }
0x58: {  	_ =	shalt  }
0x59: {  	_ =	shalt  }
0x5a: {  	_ =	shalt  }
0x5b: {  	_ =	shalt  }
0x5c: {  	_ =	shalt  }
0x5d: {  	_ =	shalt  }
0x5e: {  	_ =	shalt  }
0x5f: {  	_ =	shalt  }
0x60: {  	_ =	shalt  }
0x61: {  	_ =	shalt  }
0x62: {  	_ =	shalt  }
0x63: {  	_ =	shalt  }
0x64: {  	_ =	shalt  }
0x65: {  	_ =	shalt  }
0x66: {  	_ =	shalt  }
0x67: {  	_ =	shalt  }
0x68: {  	_ =	shalt  }
0x69: {  	_ =	shalt  }
0x6a: {  	_ =	shalt  }
0x6b: {  	_ =	shalt  }
0x6c: {  	_ =	shalt  }
0x6d: {  	_ =	shalt  }
0x6e: {  	_ =	shalt  }
0x6f: {  	_ =	shalt  }
0x70: {  	_ =	shalt  }
0x71: {  	_ =	shalt  }
0x72: {  	_ =	shalt  }
0x73: {  	_ =	shalt  }
0x74: {  	_ =	shalt  }
0x75: {  	_ =	shalt  }
0x76: {  	_ =	shalt  }
0x77: {  	_ =	shalt  }
0x78: {  	_ =	shalt  }
0x79: {  	_ =	shalt  }
0x7a: {  	_ =	shalt  }
0x7b: {  	_ =	shalt  }
0x7c: {  	_ =	shalt  }
0x7d: {  	_ =	shalt  }
0x7e: {  	_ =	shalt  }
0x7f: {  	_ =	shalt  }
0x80: {  	_ =	shalt  }
0x81: {  	_ =	shalt  }
0x82: {  	_ =	shalt  }
0x83: {  	_ =	shalt  }
0x84: {  	_ =	shalt  }
0x85: {  	_ =	shalt  }
0x86: {  	_ =	shalt  }
0x87: {  	_ =	shalt  }
.Lfunc_end0:
.L_simem_size_0:
called_computation.1_lowered:
.L_overlay_start_0:
0x88: {  	s2 =	sld [smem:$0x3FD9]  }
0x89: {  	s3 =	sld [smem:$0x3FFE];
	_ =	sdelay $0x1  }
0x8a: {  	s1 =	srdreg.scid  }
0x8b: {  	s0 =	sand.u32 $0x1, s1  }
0x8c: {  	s17 =	sshll.u32 s0, $0xA;
	s2 =	sadd.s32 s3, s2  }
0x8d: {  	s2 =	sadd.s32 s2, s17  }
0x8e: {  	[smem:$0x3FC6] =	sst s2  }
0x8f: {  	_ = 	snop  }
0x90: {  	s2 =	sld [smem:$0x3FC9]  }
0x91: {  	s18 =	sld [smem:$0x3FD0];
	(tm) =	ssettm $0x1  }
0x92: {  	s4 =	sld [smem:$0x3FFB];
	_ =	sdelay $0x3  }
0x93: {  	_ =	strace s4  }
0x94: {  	s4 =	sld [smem:$0x3FFC];
	_ =	sdelay $0x3  }
0x95: {  	_ =	strace s4  }
0x96: {  	s4 =	sld [smem:$0x3FFD];
	_ =	sdelay $0x3  }
0x97: {  	_ =	strace s4  }
0x98: {  	_ =	strace $0x8FFFFFFF  }
0x99: {  	s19 =	sld [smem:$0x3FDB];
	_ =	sdelay $0x1  }
0x9a: {  	s5 =	simm.s32 $_scs_section_size  }
0x9b: {  	s6 =	simm.s32 $_size__tile_overlayer_lowered;
	s7 =	simm.s32 $_tile_overlayer_lowered  }
0x9c: {  	s22 =	simm.s32 $0x1BFF;
	s21 =	sshll.u32 s7, $0x1;
	s4 =	sadd.s32 s5, s19  }
0x9d: {  	s8 =	simm.s32 $0x0;
	s20 =	sshll.u32 s6, $0x1;
	s6 =	sadd.s32 s21, s4  }
0x9e: {  	[timem:s8], [sflag:s22] =	dma.local [hbm:s6], s20  }
0x9f: {  	_ =	swait.ge [sflag:s22], s20  }
0xa0: {  	s5 =	ssub.s32 $0x0, s20;
	[sflag:s22] =	ssyncset.done $0x0  }
0xa1: {  	[sflag:s22] =	ssyncadd.s32 s5;
	_ =	sdelay $0x1  }
0xa2: {  	s23 =	simm.s32 $0x1B8B  }
0xa3: {  	_ =	swait.ge [sflag:s23], $0x1  }
0xa4: {  	[sflag:s23] =	ssyncset.done $0x0  }
0xa5: {  	s25 =	simm.s32 $0x1B8E;
	s24 =	sld [smem:$0x3FFE];
	[sflag:s23] =	ssyncadd.s32 $0xFFFFFFFF  }
0xa6: {  	s26 =	simm.s32 $execute0_lowered;
	[smem:$0x3FD2] =	sst s25  }
0xa7: {  	s6 =	sshll.u32 s26, $0x1;
	_ =	strace $0x80000046;
	[dreg:$0x1] =	wrdreg $0xFFFFFFFF  }
0xa8: {  	s28 =	simm.s32 $_size_execute0_lowered;
	s4 =	sadd.s32 s4, s6;
	[dreg:$0x0] =	wrdreg $0x0  }
0xa9: {  	s6 =	sshll.u32 s28, $0x1;
	[dreg:$0x2] =	wrdreg s4  }
0xaa: {  	[dreg:$0x3] =	wrdreg s6  }
0xab: {  	[dreg:$0x4] =	wrdreg $0xC0  }
0xac: {  	_ =	task [dreg:s8], $0x5FFFF  }
0xad: {  	[dreg:$0x1] =	wrdreg $0xFFFFFFFF  }
0xae: {  	[dreg:$0x0] =	wrdreg $0x60  }
0xaf: {  	[dreg:$0x2] =	wrdreg s2  }
0xb0: {  	[dreg:$0x3] =	wrdreg s24  }
0xb1: {  	[dreg:$0x4] =	wrdreg s18  }
0xb2: {  	[dreg:$0x5] =	wrdreg $0x9  }
0xb3: {  	_ =	task.clear_ibuf [dreg:s8], $0x6FFFF;
	_ =	strace $0x90000046  }
0xb4: {  	s29 =	simm.s32 $0x9;
	_ =	strace $0x80000048  }
0xb5: {  	_ =	swait.ge [sflag:s29], $0x1  }
0xb6: {  	[sflag:s29] =	ssyncadd.s32 $0xFFFFFFFF  }
0xb7: {  	_ =	strace $0x90000048  }
0xb8: {  	_ =	sfence  }
0xb9: {  	s30 =	sld [smem:$0x0];
	_ =	sdelay $0x2  }
0xba: {  	s31 =	sshll.u32 s1, $0xD;
	s1 =	sshrl.u32 s1, $0x2  }
0xbb: {  	s3 =	sand.u32 $0x4000, s31;
	s1 =	sadd.s32 s1, s30  }
0xbc: {  	s0 =	sor.u32 s3, s0;
	s1 =	sshll.u32 s1, $0x11  }
0xbd: {  	s0 =	sor.u32 s1, s0  }
0xbe: {  	s0 =	sadd.s32 $0x8F2B, s0  }
0xbf: {  	[sflag:s0] =	ssyncadd.remote.s32 $0x1  }
0xc0: {  	_ =	sfence.sel $0xFFFF  }
0xc1: {  	[dreg:$0x0] =	wrdreg $0xFFFFFFFF;
	(pc) =	sbr.abs _section_cstart, $3  }
0xc2: {  	[dreg:$0x1] =	wrdreg $0xFFFFFFFF  }
0xc3: {  	_ =	task.clear_ibuf [dreg:s8], $0x2FFFF;
	_ =	strace $0x9FFFFFFF  }
0xc4: {  	(tm) =	ssettm $0x7FFFFFFF  }
0xc5: {  	_ =	shalt  }
tec
execute0_lowered:
.L_overlay_start_1:
0x0: {  	(tag) =	ssettag $0x1  }
0x1: {  	s4 =	rddreg [dreg:$0x0];
	s1 =	srdreg.scid  }
0x2: {  	s0 =	stileid.u32;
	s3 =	rddreg [dreg:$0x1]  }
0x3: {  	s9 =	rddreg [dreg:$0x2];
	s2 =	simm.s32 $0x0;
	s13 =	simm.s32 $0x3900  }
0x4: {  	s14 =	simm.s32 $0x1;
	s15 =	simm.s32 $0x2;
	s16 =	simm.s32 $0x1880  }
0x5: {  	s17 =	simm.s32 $0x0;
	s5 =	sand.u32 $0x1, s1;
	s1 =	rddreg [dreg:$0x3]  }
0x6: {  	s25 =	sshll.u32 s0, $0x1;
	[smem:$0x7FF] =	sst s2;
	s10 =	smul.u32 $0xC8000, s0  }
0x7: {  	s6 =	sor.u32 s5, s25;
	s8 =	ssub.s32 $0x2, s5;
	s12 =	smul.u32 $0x64000, s5  }
0x8: {  	s3 =	sadd.s32 $0xF42C00, s3;
	s7 =	smul.u32 $0x320, s6;
	s11 =	sshrl.u32 s8, $0x1  }
0x9: {  	_ =	strace $0x80000047;
	s6 =	smul.u32 $0x64000, s6;
	s26 =	ssub.s32 s8, s11  }
0xa: {  	s29 =	sadd.s32 s12, s10;
	s11 =	simm.s32 $0x1900;
	s12 =	simm.s32 $0x80  }
0xb: {  	s4 =	sadd.s32 s4, s7;
	s6 =	sshrl.u32 s6, $0x3;
	s5 =	smax.u32 s26, $0x1  }
0xc: {  	s10 =	sshrl.u32 s29, $0x3;
	s30 =	sor.u32 $0x2000, s29;
	s28 =	sadd.s32 s9, s6  }
0xd: {  	s8 =	sadd.s32 s10, s9;
	s31 =	sshrl.u32 s30, $0x3;
	s10 =	simm.s32 $0x3  }
0xe: {  	s6 =	sadd.s32 $0xC000, s28;
	s7 =	sadd.s32 $0xC400, s28;
	s9 =	sadd.s32 s31, s9  }
.LBB2_1:
0xf: {  	[tilespmem:s2], [sflag:$0x3] =	stream.linear.gather [hbm4b:s4+s2], $0x1900, $0x38;
	[tilespmem:$0x5900] =	vst v63  }
0x10: {  	_ =	swait.ge [sflag:s10], $0x1900  }
0x11: {  	[sflag:s10] =	ssyncset.done $0x0  }
0x12: {  	[sflag:s10] =	ssyncadd.s32 $0xFFFFE700  }
0x13: {  	[tilespmem:s11], [sflag:$0x1] =	stream.indirect.gather [hbm4b:s3+s12], $0x40, s2, s12, $0xb8;
	[tilespmem:$0x5900] =	vst v63  }
0x14: {  	_ = 	snop  }
0x15: {  	[tilespmem:s13], [sflag:$0x2] =	stream.indirect.gather [hbm4b:s3+s12], $0x40, s12, s12, $0xb8;
	[tilespmem:$0x5900] =	vst v63  }
0x16: {  	_ =	swait.ge [sflag:s14], $0x2000  }
0x17: {  	[sflag:s14] =	ssyncset.done $0x0  }
0x18: {  	s18 =	sadd.s32 $0x0, s8;
	[sflag:s14] =	ssyncadd.s32 $0xFFFFE000  }
0x19: {  	[hbm4b:s18+s2] =	stream.linear.scatter [tilespmem:s11], [sflag:$0x3], $0x2000, $0x38;
	[tilespmem:$0x5900] =	vst v63  }
0x1a: {  	_ =	swait.ge [sflag:s10], $0x2000  }
0x1b: {  	[sflag:s10] =	ssyncset.done $0x0  }
0x1c: {  	s30 =	simm.s32 $0x100;
	[sflag:s10] =	ssyncadd.s32 $0xFFFFE000  }
0x1d: {  	[tilespmem:s11], [sflag:$0x1] =	stream.indirect.gather [hbm4b:s3+s12], $0x40, s30, s12, $0xb8;
	[tilespmem:$0x5900] =	vst v63  }
0x1e: {  	_ =	swait.ge [sflag:s15], $0x2000  }
0x1f: {  	[sflag:s15] =	ssyncset.done $0x0  }
0x20: {  	s31 =	sadd.s32 $0x0, s9;
	[sflag:s15] =	ssyncadd.s32 $0xFFFFE000  }
0x21: {  	[hbm4b:s31+s2] =	stream.linear.scatter [tilespmem:s13], [sflag:$0x3], $0x2000, $0x38;
	[tilespmem:$0x5900] =	vst v63  }
0x22: {  	_ =	swait.ge [sflag:s10], $0x2000  }
0x23: {  	s19 =	simm.s32 $0x80;
	s18 =	simm.s32 $0x800;
	[sflag:s10] =	ssyncset.done $0x0  }
.LBB2_2:
0x24: {  	p0 =	sne.s32 s18, $0xB800;
	[sflag:s10] =	ssyncadd.s32 $0xFFFFE000;
	s19 =	sadd.s32 $0x100, s19  }
0x25: {  	[tilespmem:s13], [sflag:$0x2] =	stream.indirect.gather [hbm4b:s3+s12], $0x40, s19, s12, $0xb8;
	[tilespmem:$0x5900] =	vst v63  }
0x26: {  	s20 =	smov.u32 s18;
	s18 =	sadd.s32 $0x800, s18;
	_ =	swait.ge [sflag:s14], $0x2000  }
0x27: {  	[sflag:s14] =	ssyncset.done $0x0  }
0x28: {  	s21 =	sadd.s32 s20, s8;
	[sflag:s14] =	ssyncadd.s32 $0xFFFFE000  }
0x29: {  	[hbm4b:s21+s2] =	stream.linear.scatter [tilespmem:s11], [sflag:$0x3], $0x2000, $0x38;
	[tilespmem:$0x5900] =	vst v63  }
0x2a: {  	_ =	swait.ge [sflag:s10], $0x2000  }
0x2b: {  	[sflag:s10] =	ssyncset.done $0x0  }
0x2c: {  	s21 =	sadd.s32 $0x80, s19;
	[sflag:s10] =	ssyncadd.s32 $0xFFFFE000  }
0x2d: {  	[tilespmem:s11], [sflag:$0x1] =	stream.indirect.gather [hbm4b:s3+s12], $0x40, s21, s12, $0xb8;
	[tilespmem:$0x5900] =	vst v63  }
0x2e: {  	_ =	swait.ge [sflag:s15], $0x2000  }
.Ltmp0:
0x2f: {  	[sflag:s15] =	ssyncset.done $0x0;
	(pc) =	sbr.rel @p0 .LBB2_2-.Ltmp0, $4  }
0x30: {  	s20 =	sadd.s32 s20, s9;
	[sflag:s15] =	ssyncadd.s32 $0xFFFFE000  }
0x31: {  	[hbm4b:s20+s2] =	stream.linear.scatter [tilespmem:s13], [sflag:$0x3], $0x2000, $0x38;
	[tilespmem:$0x5900] =	vst v63  }
0x32: {  	_ =	swait.ge [sflag:s10], $0x2000  }
0x33: {  	[sflag:s10] =	ssyncset.done $0x0  }
0x34: {  	[sflag:s10] =	ssyncadd.s32 $0xFFFFE000  }
0x35: {  	[tilespmem:s13], [sflag:$0x2] =	stream.indirect.gather [hbm4b:s3+s12], $0x40, s16, s12, $0xb8;
	[tilespmem:$0x5900] =	vst v63  }
0x36: {  	_ =	swait.ge [sflag:s14], $0x2000  }
0x37: {  	[sflag:s14] =	ssyncset.done $0x0  }
0x38: {  	[sflag:s14] =	ssyncadd.s32 $0xFFFFE000  }
0x39: {  	[hbm4b:s6+s2] =	stream.linear.scatter [tilespmem:s11], [sflag:$0x3], $0x2000, $0x38;
	[tilespmem:$0x5900] =	vst v63  }
0x3a: {  	_ =	swait.ge [sflag:s10], $0x2000  }
0x3b: {  	[sflag:s10] =	ssyncset.done $0x0  }
0x3c: {  	[sflag:s10] =	ssyncadd.s32 $0xFFFFE000  }
0x3d: {  	s17 =	sadd.s32 $0x1, s17;
	_ =	swait.ge [sflag:s15], $0x2000  }
0x3e: {  	p0 =	sne.s32 s17, s5;
	[sflag:s15] =	ssyncset.done $0x0  }
.Ltmp1:
0x3f: {  	[sflag:s15] =	ssyncadd.s32 $0xFFFFE000;
	(pc) =	sbr.rel @p0 .LBB2_1-.Ltmp1, $4  }
0x40: {  	[hbm4b:s7+s2] =	stream.linear.scatter [tilespmem:s13], [sflag:$0x3], $0x2000, $0x38;
	[tilespmem:$0x5900] =	vst v63  }
0x41: {  	_ =	swait.ge [sflag:s10], $0x2000  }
0x42: {  	[sflag:s10] =	ssyncset.done $0x0  }
0x43: {  	[sflag:s10] =	ssyncadd.s32 $0xFFFFE000  }
0x44: {  	_ =	sfence.sel $0x180000  }
0x45: {  	[bflag:$0x0] =	sbarrier.arrive $0xFFFF  }
0x46: {  	p0 =	sne.s32 s0, $0x0;
	_ =	strace $0x90000047  }
0x47: {  	s0 =	sadd.s32 @!p0 $0x100000, s1;
	[bflag:$0x2] =	sbarrier.arrive $0xFFFF  }
0x48: {  	[sflag:s0] =	ssyncadd.tile.s32 @!p0 $0x1;
	_ =	shalt  }
.Lfunc_end2:
_tile_overlayer_lowered:
.L_overlay_start_2:
0x49: {  	(tag) =	ssettag $0x2  }
0x4a: {  	s0 =	rddreg [dreg:$0x0];
	s2 =	stileid.u32  }
0x4b: {  	s1 =	rddreg [dreg:$0x1];
	p0 =	sne.s32 s2, $0x0  }
0x4c: {  	s3 =	rddreg [dreg:$0x2];
	[bflag:$0x3] =	sbarrier.arrive $0xFFFF;
	s2 =	simm.s32 @!p0 $0x1C03  }
0x4d: {  	[timem:s3], [sflag:s2] =	dma.local @!p0 [hbm:s0], s1  }
0x4e: {  	s0 =	simm.s32 @!p0 $0x3  }
0x4f: {  	_ =	swait.ge @!p0 [sflag:s0], s1  }
0x50: {  	s1 =	ssub.s32 @!p0 $0x0, s1;
	[sflag:s0] =	ssyncset.done @!p0 $0x0  }
0x51: {  	[sflag:s0] =	ssyncadd.s32 @!p0 s1  }
0x52: {  	[bflag:$0x3] =	sbarrier.arrive $0xFFFF  }
0x53: {  	_ =	shalt  }

// kernel: sparse-core-data-format-call.cloned.1.call-start
scs
called_computation_lowered:
.L_overlay_start_0:
0x0: {  	s2 =	sld [smem:$0x3FD9]  }
0x1: {  	s3 =	sld [smem:$0x3FFE];
	_ =	sdelay $0x1  }
0x2: {  	s1 =	srdreg.scid  }
0x3: {  	s0 =	sand.u32 $0x1, s1  }
0x4: {  	s18 =	sshll.u32 s0, $0xA;
	s2 =	sadd.s32 s3, s2  }
0x5: {  	s2 =	sadd.s32 s2, s18  }
0x6: {  	[smem:$0x3FC6] =	sst s2  }
0x7: {  	_ = 	snop  }
0x8: {  	s2 =	sld [smem:$0x3FD0];
	(tm) =	ssettm $0x1  }
0x9: {  	s19 =	sld [smem:$0x3FFB];
	_ =	sdelay $0x3  }
0xa: {  	_ =	strace s19  }
0xb: {  	s3 =	sld [smem:$0x3FFC];
	_ =	sdelay $0x3  }
0xc: {  	_ =	strace s3  }
0xd: {  	s3 =	sld [smem:$0x3FFD];
	_ =	sdelay $0x3  }
0xe: {  	_ =	strace s3  }
0xf: {  	_ =	strace $0x8FFFFFFF  }
0x10: {  	s20 =	sld [smem:$0x3FDB];
	_ =	sdelay $0x1  }
0x11: {  	s4 =	simm.s32 $_scs_section_size  }
0x12: {  	s5 =	simm.s32 $_size__tile_overlayer_lowered;
	s6 =	simm.s32 $_tile_overlayer_lowered  }
0x13: {  	s23 =	simm.s32 $0x1BFF;
	s22 =	sshll.u32 s6, $0x1;
	s3 =	sadd.s32 s4, s20  }
0x14: {  	s7 =	simm.s32 $0x0;
	s21 =	sshll.u32 s5, $0x1;
	s5 =	sadd.s32 s22, s3  }
0x15: {  	[timem:s7], [sflag:s23] =	dma.local [hbm:s5], s21  }
0x16: {  	_ =	swait.ge [sflag:s23], s21  }
0x17: {  	s4 =	ssub.s32 $0x0, s21;
	[sflag:s23] =	ssyncset.done $0x0  }
0x18: {  	[sflag:s23] =	ssyncadd.s32 s4;
	_ =	sdelay $0x1  }
0x19: {  	s24 =	simm.s32 $0x1B8B  }
0x1a: {  	_ =	swait.ge [sflag:s24], $0x1  }
0x1b: {  	[sflag:s24] =	ssyncset.done $0x0  }
0x1c: {  	s26 =	simm.s32 $0x1B8E;
	s25 =	sld [smem:$0x3FFE];
	[sflag:s24] =	ssyncadd.s32 $0xFFFFFFFF  }
0x1d: {  	s27 =	simm.s32 $execute0_lowered;
	[smem:$0x3FD2] =	sst s26  }
0x1e: {  	s5 =	sshll.u32 s27, $0x1;
	_ =	strace $0x80000049;
	[dreg:$0x1] =	wrdreg $0xFFFFFFFF  }
0x1f: {  	s28 =	simm.s32 $_size_execute0_lowered;
	s3 =	sadd.s32 s3, s5;
	[dreg:$0x0] =	wrdreg $0x0  }
0x20: {  	s5 =	sshll.u32 s28, $0x1;
	[dreg:$0x2] =	wrdreg s3  }
0x21: {  	[dreg:$0x3] =	wrdreg s5  }
0x22: {  	[dreg:$0x4] =	wrdreg $0xC0  }
0x23: {  	_ =	task [dreg:s7], $0x5FFFF  }
0x24: {  	[dreg:$0x1] =	wrdreg $0xFFFFFFFF  }
0x25: {  	[dreg:$0x0] =	wrdreg $0x60  }
0x26: {  	[dreg:$0x2] =	wrdreg s25  }
0x27: {  	[dreg:$0x3] =	wrdreg s2  }
0x28: {  	[dreg:$0x4] =	wrdreg $0x9  }
0x29: {  	_ =	task.clear_ibuf [dreg:s7], $0x5FFFF;
	_ =	strace $0x90000049  }
0x2a: {  	s29 =	simm.s32 $0x9;
	_ =	strace $0x8000004B  }
0x2b: {  	_ =	swait.ge [sflag:s29], $0x1  }
0x2c: {  	[sflag:s29] =	ssyncadd.s32 $0xFFFFFFFF  }
0x2d: {  	_ =	strace $0x9000004B  }
0x2e: {  	_ =	sfence  }
0x2f: {  	s30 =	sld [smem:$0x0];
	_ =	sdelay $0x2  }
0x30: {  	s31 =	sshll.u32 s1, $0xD;
	s1 =	sshrl.u32 s1, $0x2  }
0x31: {  	s3 =	sand.u32 $0x4000, s31;
	s1 =	sadd.s32 s1, s30  }
0x32: {  	s0 =	sor.u32 s3, s0;
	s1 =	sshll.u32 s1, $0x11  }
0x33: {  	s0 =	sor.u32 s1, s0  }
0x34: {  	s0 =	sadd.s32 $0x8F2B, s0  }
0x35: {  	[sflag:s0] =	ssyncadd.remote.s32 $0x1  }
0x36: {  	_ =	sfence.sel $0xFFFF  }
0x37: {  	[dreg:$0x0] =	wrdreg $0xFFFFFFFF;
	(pc) =	sbr.abs _section_cstart, $3  }
0x38: {  	[dreg:$0x1] =	wrdreg $0xFFFFFFFF  }
0x39: {  	_ =	task.clear_ibuf [dreg:s7], $0x2FFFF;
	_ =	strace $0x9FFFFFFF  }
0x3a: {  	(tm) =	ssettm $0x7FFFFFFF  }
0x3b: {  	_ =	shalt  }
tec
execute0_lowered:
.L_overlay_start_1:
0x0: {  	(tag) =	ssettag $0x1  }
0x1: {  	s0 =	srdreg.scid  }
0x2: {  	s1 =	sshll.u32 s0, $0x4  }
0x3: {  	s4 =	rddreg [dreg:$0x0];
	s0 =	stileid.u32;
	s1 =	sand.u32 $0x10, s1  }
0x4: {  	s2 =	rddreg [dreg:$0x1];
	s7 =	simm.s32 $0x1;
	s1 =	sor.u32 s0, s1  }
0x5: {  	s8 =	simm.s32 $0x2;
	s11 =	simm.s32 $0x0;
	s3 =	sshll.u32 s1, $0x7  }
0x6: {  	s10 =	simm.s32 $0x0;
	s4 =	sadd.s32 $0x800, s4;
	s6 =	ssub.s32 $0x32000, s3  }
.Ltmp0:
0x7: {  	s1 =	rddreg [dreg:$0x2];
	s5 =	sand.u32 $0xF80, s6;
	(pc) =	sbr.rel .LBB1_1-.Ltmp0, $4  }
0x8: {  	_ =	strace $0x8000004A;
	s9 =	smov.u32 s3;
	p0 =	sne.s32 s5, $0x0  }
0x9: {  	s6 =	sshrl.u32 s6, $0xC;
	s5 =	simm.s32 $0x1;
	s7 =	simm.s32 @!p0 $0x0  }
0xa: {  	[sflag:s5] =	ssyncpa.u1 $0x0;
	p0 =	por $0x0, $0x0;
	s6 =	sadd.s32 s7, s6  }
0xb: {  	[sflag:s8] =	ssyncpa.u1 $0x0;
	s8 =	simm.s32 $0x190000;
	s7 =	sadd.s32 $0x1, s6  }
.LBB1_4:
0xc: {  	s14 =	sshll.u32 s11, $0x3  }
0xd: {  	s30 =	sand.u32 $0x7F, s11;
	s15 =	sand.u32 $0xFFFFFC00, s14  }
0xe: {  	s11 =	sor.u32 s30, s15  }
0xf: {  	s15 =	smulhi.u32 $0x51EB851F, s11  }
0x10: {  	s14 =	smulhi.u32 $0x51EB851F, s14  }
0x11: {  	s15 =	sshrl.u32 s15, $0x10  }
0x12: {  	s14 =	sshrl.u32 s14, $0x10;
	s15 =	smul.u32 $0x32000, s15  }
0x13: {  	s14 =	sand.u32 $0x3F, s14  }
0x14: {  	s14 =	smul.u32 $0x6400, s14;
	s11 =	ssub.s32 s11, s15  }
0x15: {  	[tilespmem:s13+$0x810 ss:$0x81] =	vst.msk $0xffff, v2;
	s15 =	sand.u32 $0x7, s11  }
0x16: {  	[tilespmem:s13+$0x1020 ss:$0x81] =	vst.msk $0xffff, v0;
	s14 =	sadd.s32 s2, s14;
	s11 =	sshrl.u32 s11, $0x3;
	s15 =	sshll.u32 s15, $0x12  }
0x17: {  	[tilespmem:s13+$0x0 ss:$0x81] =	vst.msk $0xffff, v1;
	s11 =	sadd.s32 s11, s14;
	s31 =	sor.u32 $0x400, s15  }
0x18: {  	[hbm4b:s11+s31] =	stream.strided.scatter [tilespmem:s12], [sflag:$0x2], $0x2000, s8, s31, $0x20;
	[tilespmem:$0x8080] =	vst v63  }
.LBB1_5:
0x19: {  	s13 =	sadd.s32 $0x1000, s9  }
0x1a: {  	p2 =	sgt.s32 s13, $0x31FFF  }
0x1b: {  	s13 =	smov.u32 @p2 s3;
	p2 =	sne.s32 s10, s7  }
.Ltmp1:
0x1c: {  	p1 =	slt.u32 s10, $0x2;
	(pc) =	sbr.rel @!p2 .LBB1_6-.Ltmp1, $4  }
0x1d: {  	s12 =	simm.s32 @!p1 $0x2  }
0x1e: {  	s14 =	sadd.s32 $0x1, s10;
	_ =	swait.ge @!p1 [sflag:s12], $0x2000  }
0x1f: {  	s11 =	smov.u32 s9;
	p0 =	por !p0, !p0;
	[sflag:s12] =	ssyncset.done @!p1 $0x0  }
0x20: {  	s10 =	smov.u32 s14;
	s9 =	smov.u32 s13;
	[sflag:s12] =	ssyncadd.s32 @!p1 $0xFFFFE000  }
.LBB1_1:
0x21: {  	p1 =	sge.u32 s10, s6  }
0x22: {  	s12 =	sand.u32 @!p1 $0x1FFFFFF, s9  }
0x23: {  	s13 =	smulhi.u32 @!p1 $0x147AE15, s12;
	_ =	sdelay $0x1  }
0x24: {  	s13 =	sshrl.u32 @!p1 s13, $0xA  }
0x25: {  	s13 =	smul.u32 @!p1 $0x32000, s13;
	_ =	sdelay $0x1  }
0x26: {  	s31 =	sadd.s32 $0xFFFFFFFF, s10;
	s14 =	sxor.u32 @!p1 $0xFFFFFFFF, s10;
	s12 =	ssub.s32 @!p1 s12, s13  }
0x27: {  	s15 =	simm.s32 @!p1 $0x80;
	s14 =	sshll.u32 @!p1 s14, $0xD;
	s12 =	sshll.u32 @!p1 s12, $0x4  }
0x28: {  	s13 =	sand.u32 @!p1 $0x2000, s14;
	s14 =	simm.s32 @!p1 $0x40;
	s12 =	sadd.s32 @!p1 s4, s12  }
0x29: {  	[tilespmem:s13], [sflag:$0x1] =	stream.strided.gather @!p1 [hbm4b:s12+s14], $0x2000, s15, s14, $0x38;
	[tilespmem:$0x8080] =	vst v63  }
0x2a: {  	p1 =	sge.u32 s31, s6  }
.Ltmp2:
0x2b: {  	_ = 	snop;
	(pc) =	sbr.rel @p1 .LBB1_5-.Ltmp2, $1  }
0x2c: {  	_ =	sdelay $0x3  }
0x2d: {  	s12 =	simm.s32 $0x1  }
0x2e: {  	_ =	swait.ge [sflag:s5], $0x2000;
	s12 =	simm.s32 @!p0 $0x0  }
0x2f: {  	[sflag:s5] =	ssyncset.done $0x0;
	s13 =	sshll.u32 s12, $0xD  }
0x30: {  	[sflag:s5] =	ssyncadd.s32 $0xFFFFE000;
	s16 =	sor.u32 $0x20, s13  }
0x31: {  	s12 =	smul.u32 $0x8100, s12;
	v3 =	vld [tilespmem:s16+$0x10]  }
0x32: {  	s30 =	sand.u32 $0x1, s10;
	v2 =	vld [tilespmem:s16+$0xFFFFFFF0]  }
0x33: {  	s13 =	smul.u32 $0x8100, s30;
	s12 =	sshrl.u32 s12, $0x2;
	v0 =	vld [tilespmem:s16+$0x0]  }
0x34: {  	v1 =	vld [tilespmem:s16+$0xFFFFFFE0];
	s14 =	sor.u32 $0x4000, s12  }
0x35: {  	s31 =	sshrl.u32 s13, $0x2;
	s13 =	sadd.s32 $0x0, s14  }
0x36: {  	s15 =	simm.s32 $0x4;
	s16 =	sadd.s32 $0x40, s16;
	s12 =	sor.u32 $0x4000, s31;
	[tilespmem:s13+$0x1830 ss:$0x81] =	vst.msk $0xffff, v3  }
.LBB1_3:
0x37: {  	v3 =	vld [tilespmem:s16+$0x10];
	p1 =	sne.s32 s15, $0x1FC;
	[tilespmem:s13+$0x810 ss:$0x81] =	vst.msk $0xffff, v2;
	s17 =	smov.u32 s15;
	s15 =	sadd.s32 $0x4, s15  }
.Ltmp3:
0x38: {  	v2 =	vld [tilespmem:s16+$0xFFFFFFF0];
	[tilespmem:s13+$0x1020 ss:$0x81] =	vst.msk $0xffff, v0;
	(pc) =	sbr.rel @p1 .LBB1_3-.Ltmp3, $4  }
0x39: {  	v0 =	vld [tilespmem:s16+$0x0];
	[tilespmem:s13+$0x0 ss:$0x81] =	vst.msk $0xffff, v1  }
0x3a: {  	s13 =	sshra.s32 s17, $0x2;
	v1 =	vld [tilespmem:s16+$0xFFFFFFE0]  }
0x3b: {  	s13 =	sadd.s32 s13, s14  }
0x3c: {  	s16 =	sadd.s32 $0x40, s16;
	[tilespmem:s13+$0x1830 ss:$0x81] =	vst.msk $0xffff, v3  }
.Ltmp4:
0x3d: {  	_ = 	snop;
	(pc) =	sbr.rel .LBB1_4-.Ltmp4, $1  }
0x3e: {  	_ =	sdelay $0x3  }
.LBB1_6:
0x3f: {  	_ =	sfence.sel $0x180000  }
0x40: {  	s2 =	simm.s32 $0x1;
	[bflag:$0x0] =	sbarrier.arrive $0xFFFF  }
0x41: {  	s31 =	simm.s32 $0x2;
	[sflag:s2] =	ssyncpa.u1 $0x1  }
0x42: {  	[sflag:s31] =	ssyncpa.u1 $0x1  }
0x43: {  	p0 =	sne.s32 s0, $0x0;
	_ =	strace $0x9000004A  }
0x44: {  	s0 =	sadd.s32 @!p0 $0x100000, s1;
	[bflag:$0x2] =	sbarrier.arrive $0xFFFF  }
0x45: {  	[sflag:s0] =	ssyncadd.tile.s32 @!p0 $0x1;
	_ =	shalt  }
.Lfunc_end1:
_tile_overlayer_lowered:
.L_overlay_start_2:
0x46: {  	(tag) =	ssettag $0x2  }
0x47: {  	s0 =	rddreg [dreg:$0x0];
	s2 =	stileid.u32  }
0x48: {  	s1 =	rddreg [dreg:$0x1];
	p0 =	sne.s32 s2, $0x0  }
0x49: {  	s3 =	rddreg [dreg:$0x2];
	[bflag:$0x3] =	sbarrier.arrive $0xFFFF;
	s2 =	simm.s32 @!p0 $0x1C01  }
0x4a: {  	[timem:s3], [sflag:s2] =	dma.local @!p0 [hbm:s0], s1  }
0x4b: {  	s0 =	simm.s32 @!p0 $0x1  }
0x4c: {  	_ =	swait.ge @!p0 [sflag:s0], s1  }
0x4d: {  	s1 =	ssub.s32 @!p0 $0x0, s1;
	[sflag:s0] =	ssyncset.done @!p0 $0x0  }
0x4e: {  	[sflag:s0] =	ssyncadd.s32 @!p0 s1  }
0x4f: {  	[bflag:$0x3] =	sbarrier.arrive $0xFFFF  }
0x50: {  	_ =	shalt  }

</sc_bundles>
